<compile_context>
chip_gen: v7x
topology: tpu7x:2x2x1
jax: 0.10.2.dev20260603
libtpu: 0.0.44.dev20260713+nightly
codegen_flags: <defaults>
</compile_context>

<pallas_src>
import functools

import jax
import jax.numpy as jnp
from jax import lax
from jax.experimental import pallas as pl
from jax.experimental.pallas import tpu as pltpu
from jax.experimental.pallas import tpu_sc as plsc

DIM = 128
TIMESTEPS = 1000
BATCH = 16384

NUM_CORES = 2
NUM_SUBCORES = 16
NW = NUM_CORES * NUM_SUBCORES
B_PER_W = BATCH // NW
CHUNK = 128
N_CHUNKS = B_PER_W // CHUNK
STAGE_ROWS = 64
TAIL_BASE = STAGE_ROWS * (NUM_SUBCORES - 1)
TAIL_ROWS = TIMESTEPS - TAIL_BASE


@functools.partial(
    pl.kernel,
    mesh=plsc.VectorSubcoreMesh(core_axis_name="c", subcore_axis_name="s"),
    out_type=jax.ShapeDtypeStruct((BATCH, DIM), jnp.float32),
    scratch_types=[
        pltpu.VMEM((N_CHUNKS, CHUNK), jnp.int32),
        pltpu.VMEM((N_CHUNKS, CHUNK, DIM), jnp.float32),
        pltpu.VMEM_SHARED((TIMESTEPS, DIM), jnp.float32),
        pltpu.SemaphoreType.DMA((N_CHUNKS,)),
        pltpu.SemaphoreType.DMA,
    ],
)
def _gather_kernel(idx_hbm, table_hbm, out_hbm, idx_v, rows_v, shared, gsem, wsem):
    cid = lax.axis_index("c")
    sid = lax.axis_index("s")
    wid = sid * NUM_CORES + cid
    pltpu.sync_copy(idx_hbm.at[wid], idx_v)
    @pl.when(sid < NUM_SUBCORES - 1)
    def _stage_body():
        pltpu.sync_copy(
            table_hbm.at[pl.ds(sid * STAGE_ROWS, STAGE_ROWS)],
            shared.at[pl.ds(sid * STAGE_ROWS, STAGE_ROWS)],
        )

    @pl.when(sid == NUM_SUBCORES - 1)
    def _stage_tail():
        pltpu.sync_copy(
            table_hbm.at[pl.ds(TAIL_BASE, TAIL_ROWS)],
            shared.at[pl.ds(TAIL_BASE, TAIL_ROWS)],
        )

    plsc.subcore_barrier()
    gathers = [
        pltpu.async_copy(shared.at[idx_v.at[j]], rows_v.at[j], gsem.at[j])
        for j in range(N_CHUNKS)
    ]
    base = wid * B_PER_W
    writes = []
    for j in range(N_CHUNKS):
        gathers[j].wait()
        writes.append(
            pltpu.async_copy(
                rows_v.at[j], out_hbm.at[pl.ds(base + j * CHUNK, CHUNK)], wsem
            )
        )
    for w in writes:
        w.wait()


def kernel(timestep, pe_matrix):
    idx = timestep.astype(jnp.int32).reshape(NW, N_CHUNKS, CHUNK)
    return _gather_kernel(idx, pe_matrix)

# --- scband reference (transcript-rebuilt; emitter-appended) ---
"""Pipeline reference for scband-sinusodial-positional-embedding-28363964023007 (READ-ONLY COPY).

The authoritative reference and input builder live on the scoring server;
editing this copy changes nothing except your own understanding.
"""

import jax, jax.numpy as jnp
import numpy as np

DIM = 128
TIMESTEPS = 1000
BATCH = 16384

def _build_pe_matrix(dim, timesteps):
    pe = np.zeros((timesteps, dim), dtype=np.float32)
    even_indices = np.arange(0, dim, 2, dtype=np.float32)
    log_term = np.log(10000.0) / dim
    div_term = np.exp(even_indices * -log_term)
    t = np.arange(timesteps, dtype=np.float32)[:, None]
    pe[:, 0::2] = np.sin(t * div_term)
    pe[:, 1::2] = np.cos(t * div_term)
    return jnp.asarray(pe)

def setup_inputs(seed: int = 0) -> dict:
    key = jax.random.key(seed)
    timestep = jax.random.randint(key, (BATCH,), 0, TIMESTEPS, dtype=jnp.int64 if jax.config.read('jax_enable_x64') else jnp.int32)
    pe_matrix = _build_pe_matrix(DIM, TIMESTEPS)
    return {"timestep": timestep, "pe_matrix": pe_matrix}

def reference(timestep, pe_matrix):
    timestep = timestep.astype(jnp.int32)
    return jnp.take(pe_matrix, timestep, axis=0)

if __name__ == "__main__":
    import jax
    _d = setup_inputs()
    print(jax.jit(kernel)(*tuple(_d.values())))

</pallas_src>

<mosaic_0001>
#map = affine_map<(d0, d1) -> (0, 0, 0)>
#map1 = affine_map<(d0, d1) -> (0, 0)>
module attributes {stable_mosaic.version = 14 : i64} {
  func.func @_gather_kernel(%arg0: i32, %arg1: i32, %arg2: memref<32x4x128xi32, #tpu.memory_space<hbm>>, %arg3: memref<1000x128xf32, #tpu.memory_space<hbm>>, %arg4: memref<16384x128xf32, #tpu.memory_space<hbm>>, %arg5: memref<4x128xi32, #tpu.memory_space<vmem>>, %arg6: memref<4x128x128xf32, #tpu.memory_space<vmem>>, %arg7: memref<1000x128xf32, #tpu.memory_space<vmem_shared>>, %arg8: memref<4x!tpu.dma_semaphore, #tpu.memory_space<semaphore_mem>>, %arg9: memref<!tpu.dma_semaphore, #tpu.memory_space<semaphore_mem>>) attributes {dimension_semantics = [#tpu.dimension_semantics<core_parallel>, #tpu.dimension_semantics<subcore_parallel>], iteration_bounds = array<i64: 2, 16>, scalar_prefetch = 0 : i64, scratch_operands = 5 : i64, tpu.core_type = #tpu.core_type<sc_vector_subcore>, window_params = [{transform_indices = #map}, {transform_indices = #map1}, {transform_indices = #map1}]} {
    %mul3A = arith.constant 2 : i32
    %mul3A_0 = arith.muli %arg1, %mul3A : i32
    %add3A = arith.addi %mul3A_0, %arg0 : i32
    "tpu.region"() ({
      %run_scoped3A = tpu.sem_alloc : memref<!tpu.dma_semaphore, #tpu.memory_space<semaphore_mem>>
      %dma_start3A_239 = arith.constant 0 : i32
      %dma_start3A_240 = arith.constant 0 : i32
      %dma_start3A_241 = tpu.memref_slice %arg2[%add3A, %dma_start3A_239, %dma_start3A_240] : memref<32x4x128xi32, #tpu.memory_space<hbm>> -> memref<1x4x128xi32, #tpu.memory_space<hbm>>
      %dma_start3A_242 = tpu.memref_squeeze %dma_start3A_241 : memref<1x4x128xi32, #tpu.memory_space<hbm>> -> memref<4x128xi32, #tpu.memory_space<hbm>>
      %dma_start3A_243 = arith.constant 0 : i32
      %dma_start3A_244 = arith.constant 0 : i32
      %dma_start3A_245 = tpu.memref_slice %arg2[%add3A, %dma_start3A_243, %dma_start3A_244] : memref<32x4x128xi32, #tpu.memory_space<hbm>> -> memref<1x4x128xi32, #tpu.memory_space<hbm>>
      %dma_start3A_246 = tpu.memref_squeeze %dma_start3A_245 : memref<1x4x128xi32, #tpu.memory_space<hbm>> -> memref<4x128xi32, #tpu.memory_space<hbm>>
      tpu.enqueue_dma source(%dma_start3A_246 : memref<4x128xi32, #tpu.memory_space<hbm>>) target(%arg5 : memref<4x128xi32, #tpu.memory_space<vmem>>) target_semaphore(%run_scoped3A : memref<!tpu.dma_semaphore, #tpu.memory_space<semaphore_mem>>)
      %dma_wait3A_247 = arith.constant 0 : i32
      %dma_wait3A_248 = arith.constant 0 : i32
      %dma_wait3A_249 = tpu.memref_slice %arg2[%add3A, %dma_wait3A_247, %dma_wait3A_248] : memref<32x4x128xi32, #tpu.memory_space<hbm>> -> memref<1x4x128xi32, #tpu.memory_space<hbm>>
      %dma_wait3A_250 = tpu.memref_squeeze %dma_wait3A_249 : memref<1x4x128xi32, #tpu.memory_space<hbm>> -> memref<4x128xi32, #tpu.memory_space<hbm>>
      %dma_wait3A_251 = arith.constant 0 : i32
      %dma_wait3A_252 = arith.constant 0 : i32
      %dma_wait3A_253 = tpu.memref_slice %arg2[%add3A, %dma_wait3A_251, %dma_wait3A_252] : memref<32x4x128xi32, #tpu.memory_space<hbm>> -> memref<1x4x128xi32, #tpu.memory_space<hbm>>
      %dma_wait3A_254 = tpu.memref_squeeze %dma_wait3A_253 : memref<1x4x128xi32, #tpu.memory_space<hbm>> -> memref<4x128xi32, #tpu.memory_space<hbm>>
      tpu.wait_dma2 semaphore(%run_scoped3A : memref<!tpu.dma_semaphore, #tpu.memory_space<semaphore_mem>>) src(%dma_wait3A_254 : memref<4x128xi32, #tpu.memory_space<hbm>>) dst(%arg5 : memref<4x128xi32, #tpu.memory_space<vmem>>)
      tpu.yield
    }) : () -> ()
    %lt3A = arith.constant 15 : i32
    %lt3A_1 = arith.cmpi slt, %arg1, %lt3A : i32
    %convert_element_type3A = arith.extui %lt3A_1 : i1 to i32
    %cond3A = arith.constant 0 : i32
    %cond3A_2 = arith.cmpi ne, %convert_element_type3A, %cond3A : i32
    scf.if %cond3A_2 {
      %mul3A_239 = arith.constant 64 : i32
      %mul3A_240 = arith.muli %arg1, %mul3A_239 : i32
      %mul3A_241 = arith.constant 64 : i32
      %mul3A_242 = arith.muli %arg1, %mul3A_241 : i32
      "tpu.region"() ({
        %run_scoped3A = tpu.sem_alloc : memref<!tpu.dma_semaphore, #tpu.memory_space<semaphore_mem>>
        %dma_start3A_243 = arith.constant 0 : i32
        %dma_start3A_244 = tpu.memref_slice %arg7[%mul3A_242, %dma_start3A_243] : memref<1000x128xf32, #tpu.memory_space<vmem_shared>> -> memref<64x128xf32, #tpu.memory_space<vmem_shared>>
        %dma_start3A_245 = arith.constant 0 : i32
        %dma_start3A_246 = tpu.memref_slice %arg3[%mul3A_240, %dma_start3A_245] : memref<1000x128xf32, #tpu.memory_space<hbm>> -> memref<64x128xf32, #tpu.memory_space<hbm>>
        tpu.enqueue_dma source(%dma_start3A_246 : memref<64x128xf32, #tpu.memory_space<hbm>>) target(%dma_start3A_244 : memref<64x128xf32, #tpu.memory_space<vmem_shared>>) target_semaphore(%run_scoped3A : memref<!tpu.dma_semaphore, #tpu.memory_space<semaphore_mem>>)
        %dma_wait3A_247 = arith.constant 0 : i32
        %dma_wait3A_248 = tpu.memref_slice %arg7[%mul3A_242, %dma_wait3A_247] : memref<1000x128xf32, #tpu.memory_space<vmem_shared>> -> memref<64x128xf32, #tpu.memory_space<vmem_shared>>
        %dma_wait3A_249 = arith.constant 0 : i32
        %dma_wait3A_250 = tpu.memref_slice %arg3[%mul3A_240, %dma_wait3A_249] : memref<1000x128xf32, #tpu.memory_space<hbm>> -> memref<64x128xf32, #tpu.memory_space<hbm>>
        tpu.wait_dma2 semaphore(%run_scoped3A : memref<!tpu.dma_semaphore, #tpu.memory_space<semaphore_mem>>) src(%dma_wait3A_250 : memref<64x128xf32, #tpu.memory_space<hbm>>) dst(%dma_wait3A_248 : memref<64x128xf32, #tpu.memory_space<vmem_shared>>)
        tpu.yield
      }) : () -> ()
    } else {
    }
    %eq3A = arith.constant 15 : i32
    %eq3A_3 = arith.cmpi eq, %arg1, %eq3A : i32
    %convert_element_type3A_4 = arith.extui %eq3A_3 : i1 to i32
    %cond3A_5 = arith.constant 0 : i32
    %cond3A_6 = arith.cmpi ne, %convert_element_type3A_4, %cond3A_5 : i32
    scf.if %cond3A_6 {
      "tpu.region"() ({
        %run_scoped3A = tpu.sem_alloc : memref<!tpu.dma_semaphore, #tpu.memory_space<semaphore_mem>>
        %dma_start3A_239 = arith.constant 960 : i32
        %dma_start3A_240 = arith.constant 0 : i32
        %dma_start3A_241 = tpu.memref_slice %arg7[%dma_start3A_239, %dma_start3A_240] : memref<1000x128xf32, #tpu.memory_space<vmem_shared>> -> memref<40x128xf32, #tpu.memory_space<vmem_shared>>
        %dma_start3A_242 = arith.constant 960 : i32
        %dma_start3A_243 = arith.constant 0 : i32
        %dma_start3A_244 = tpu.memref_slice %arg3[%dma_start3A_242, %dma_start3A_243] : memref<1000x128xf32, #tpu.memory_space<hbm>> -> memref<40x128xf32, #tpu.memory_space<hbm>>
        tpu.enqueue_dma source(%dma_start3A_244 : memref<40x128xf32, #tpu.memory_space<hbm>>) target(%dma_start3A_241 : memref<40x128xf32, #tpu.memory_space<vmem_shared>>) target_semaphore(%run_scoped3A : memref<!tpu.dma_semaphore, #tpu.memory_space<semaphore_mem>>)
        %dma_wait3A_245 = arith.constant 960 : i32
        %dma_wait3A_246 = arith.constant 0 : i32
        %dma_wait3A_247 = tpu.memref_slice %arg7[%dma_wait3A_245, %dma_wait3A_246] : memref<1000x128xf32, #tpu.memory_space<vmem_shared>> -> memref<40x128xf32, #tpu.memory_space<vmem_shared>>
        %dma_wait3A_248 = arith.constant 960 : i32
        %dma_wait3A_249 = arith.constant 0 : i32
        %dma_wait3A_250 = tpu.memref_slice %arg3[%dma_wait3A_248, %dma_wait3A_249] : memref<1000x128xf32, #tpu.memory_space<hbm>> -> memref<40x128xf32, #tpu.memory_space<hbm>>
        tpu.wait_dma2 semaphore(%run_scoped3A : memref<!tpu.dma_semaphore, #tpu.memory_space<semaphore_mem>>) src(%dma_wait3A_250 : memref<40x128xf32, #tpu.memory_space<hbm>>) dst(%dma_wait3A_247 : memref<40x128xf32, #tpu.memory_space<vmem_shared>>)
        tpu.yield
      }) : () -> ()
    } else {
    }
    %barrier3A = arith.constant 0 : index
    tpu.barrier barrier_id(%barrier3A)
    %dma_start3A = arith.constant 0 : i32
    %dma_start3A_7 = arith.constant 0 : i32
    %dma_start3A_8 = arith.constant 0 : i32
    %dma_start3A_9 = arith.constant 0 : i32
    %dma_start3A_10 = arith.constant 0 : i32
    %dma_start3A_11 = tpu.memref_slice %arg6[%dma_start3A_7, %dma_start3A_9, %dma_start3A_10] : memref<4x128x128xf32, #tpu.memory_space<vmem>> -> memref<1x128x128xf32, #tpu.memory_space<vmem>>
    %dma_start3A_12 = tpu.memref_squeeze %dma_start3A_11 : memref<1x128x128xf32, #tpu.memory_space<vmem>> -> memref<128x128xf32, #tpu.memory_space<vmem>>
    %dma_start3A_13 = arith.constant 0 : i32
    %dma_start3A_14 = tpu.memref_slice %arg5[%dma_start3A, %dma_start3A_13] : memref<4x128xi32, #tpu.memory_space<vmem>> -> memref<1x128xi32, #tpu.memory_space<vmem>>
    %dma_start3A_15 = tpu.memref_squeeze %dma_start3A_14 : memref<1x128xi32, #tpu.memory_space<vmem>> -> memref<128xi32, #tpu.memory_space<vmem>>
    %dma_start3A_16 = arith.constant 0 : i32
    %dma_start3A_17 = arith.constant 0 : i32
    %dma_start3A_18 = tpu.memref_slice %arg7[%dma_start3A_16, %dma_start3A_17] : memref<1000x128xf32, #tpu.memory_space<vmem_shared>> -> memref<1000x128xf32, #tpu.memory_space<vmem_shared>>
    %dma_start3A_19 = tpu.memref_slice %arg8[%dma_start3A_8] : memref<4x!tpu.dma_semaphore, #tpu.memory_space<semaphore_mem>> -> memref<1x!tpu.dma_semaphore, #tpu.memory_space<semaphore_mem>>
    %dma_start3A_20 = tpu.memref_squeeze %dma_start3A_19 : memref<1x!tpu.dma_semaphore, #tpu.memory_space<semaphore_mem>> -> memref<!tpu.dma_semaphore, #tpu.memory_space<semaphore_mem>>
    tpu.enqueue_indirect_dma source(%dma_start3A_18 : memref<1000x128xf32, #tpu.memory_space<vmem_shared>>) target(%dma_start3A_12 : memref<128x128xf32, #tpu.memory_space<vmem>>) offsets(%dma_start3A_15 : memref<128xi32, #tpu.memory_space<vmem>>) semaphore(%dma_start3A_20 : memref<!tpu.dma_semaphore, #tpu.memory_space<semaphore_mem>>)
    %dma_start3A_21 = arith.constant 1 : i32
    %dma_start3A_22 = arith.constant 1 : i32
    %dma_start3A_23 = arith.constant 1 : i32
    %dma_start3A_24 = arith.constant 0 : i32
    %dma_start3A_25 = arith.constant 0 : i32
    %dma_start3A_26 = tpu.memref_slice %arg6[%dma_start3A_22, %dma_start3A_24, %dma_start3A_25] : memref<4x128x128xf32, #tpu.memory_space<vmem>> -> memref<1x128x128xf32, #tpu.memory_space<vmem>>
    %dma_start3A_27 = tpu.memref_squeeze %dma_start3A_26 : memref<1x128x128xf32, #tpu.memory_space<vmem>> -> memref<128x128xf32, #tpu.memory_space<vmem>>
    %dma_start3A_28 = arith.constant 0 : i32
    %dma_start3A_29 = tpu.memref_slice %arg5[%dma_start3A_21, %dma_start3A_28] : memref<4x128xi32, #tpu.memory_space<vmem>> -> memref<1x128xi32, #tpu.memory_space<vmem>>
    %dma_start3A_30 = tpu.memref_squeeze %dma_start3A_29 : memref<1x128xi32, #tpu.memory_space<vmem>> -> memref<128xi32, #tpu.memory_space<vmem>>
    %dma_start3A_31 = arith.constant 0 : i32
    %dma_start3A_32 = arith.constant 0 : i32
    %dma_start3A_33 = tpu.memref_slice %arg7[%dma_start3A_31, %dma_start3A_32] : memref<1000x128xf32, #tpu.memory_space<vmem_shared>> -> memref<1000x128xf32, #tpu.memory_space<vmem_shared>>
    %dma_start3A_34 = tpu.memref_slice %arg8[%dma_start3A_23] : memref<4x!tpu.dma_semaphore, #tpu.memory_space<semaphore_mem>> -> memref<1x!tpu.dma_semaphore, #tpu.memory_space<semaphore_mem>>
    %dma_start3A_35 = tpu.memref_squeeze %dma_start3A_34 : memref<1x!tpu.dma_semaphore, #tpu.memory_space<semaphore_mem>> -> memref<!tpu.dma_semaphore, #tpu.memory_space<semaphore_mem>>
    tpu.enqueue_indirect_dma source(%dma_start3A_33 : memref<1000x128xf32, #tpu.memory_space<vmem_shared>>) target(%dma_start3A_27 : memref<128x128xf32, #tpu.memory_space<vmem>>) offsets(%dma_start3A_30 : memref<128xi32, #tpu.memory_space<vmem>>) semaphore(%dma_start3A_35 : memref<!tpu.dma_semaphore, #tpu.memory_space<semaphore_mem>>)
    %dma_start3A_36 = arith.constant 2 : i32
    %dma_start3A_37 = arith.constant 2 : i32
    %dma_start3A_38 = arith.constant 2 : i32
    %dma_start3A_39 = arith.constant 0 : i32
    %dma_start3A_40 = arith.constant 0 : i32
    %dma_start3A_41 = tpu.memref_slice %arg6[%dma_start3A_37, %dma_start3A_39, %dma_start3A_40] : memref<4x128x128xf32, #tpu.memory_space<vmem>> -> memref<1x128x128xf32, #tpu.memory_space<vmem>>
    %dma_start3A_42 = tpu.memref_squeeze %dma_start3A_41 : memref<1x128x128xf32, #tpu.memory_space<vmem>> -> memref<128x128xf32, #tpu.memory_space<vmem>>
    %dma_start3A_43 = arith.constant 0 : i32
    %dma_start3A_44 = tpu.memref_slice %arg5[%dma_start3A_36, %dma_start3A_43] : memref<4x128xi32, #tpu.memory_space<vmem>> -> memref<1x128xi32, #tpu.memory_space<vmem>>
    %dma_start3A_45 = tpu.memref_squeeze %dma_start3A_44 : memref<1x128xi32, #tpu.memory_space<vmem>> -> memref<128xi32, #tpu.memory_space<vmem>>
    %dma_start3A_46 = arith.constant 0 : i32
    %dma_start3A_47 = arith.constant 0 : i32
    %dma_start3A_48 = tpu.memref_slice %arg7[%dma_start3A_46, %dma_start3A_47] : memref<1000x128xf32, #tpu.memory_space<vmem_shared>> -> memref<1000x128xf32, #tpu.memory_space<vmem_shared>>
    %dma_start3A_49 = tpu.memref_slice %arg8[%dma_start3A_38] : memref<4x!tpu.dma_semaphore, #tpu.memory_space<semaphore_mem>> -> memref<1x!tpu.dma_semaphore, #tpu.memory_space<semaphore_mem>>
    %dma_start3A_50 = tpu.memref_squeeze %dma_start3A_49 : memref<1x!tpu.dma_semaphore, #tpu.memory_space<semaphore_mem>> -> memref<!tpu.dma_semaphore, #tpu.memory_space<semaphore_mem>>
    tpu.enqueue_indirect_dma source(%dma_start3A_48 : memref<1000x128xf32, #tpu.memory_space<vmem_shared>>) target(%dma_start3A_42 : memref<128x128xf32, #tpu.memory_space<vmem>>) offsets(%dma_start3A_45 : memref<128xi32, #tpu.memory_space<vmem>>) semaphore(%dma_start3A_50 : memref<!tpu.dma_semaphore, #tpu.memory_space<semaphore_mem>>)
    %dma_start3A_51 = arith.constant 3 : i32
    %dma_start3A_52 = arith.constant 3 : i32
    %dma_start3A_53 = arith.constant 3 : i32
    %dma_start3A_54 = arith.constant 0 : i32
    %dma_start3A_55 = arith.constant 0 : i32
    %dma_start3A_56 = tpu.memref_slice %arg6[%dma_start3A_52, %dma_start3A_54, %dma_start3A_55] : memref<4x128x128xf32, #tpu.memory_space<vmem>> -> memref<1x128x128xf32, #tpu.memory_space<vmem>>
    %dma_start3A_57 = tpu.memref_squeeze %dma_start3A_56 : memref<1x128x128xf32, #tpu.memory_space<vmem>> -> memref<128x128xf32, #tpu.memory_space<vmem>>
    %dma_start3A_58 = arith.constant 0 : i32
    %dma_start3A_59 = tpu.memref_slice %arg5[%dma_start3A_51, %dma_start3A_58] : memref<4x128xi32, #tpu.memory_space<vmem>> -> memref<1x128xi32, #tpu.memory_space<vmem>>
    %dma_start3A_60 = tpu.memref_squeeze %dma_start3A_59 : memref<1x128xi32, #tpu.memory_space<vmem>> -> memref<128xi32, #tpu.memory_space<vmem>>
    %dma_start3A_61 = arith.constant 0 : i32
    %dma_start3A_62 = arith.constant 0 : i32
    %dma_start3A_63 = tpu.memref_slice %arg7[%dma_start3A_61, %dma_start3A_62] : memref<1000x128xf32, #tpu.memory_space<vmem_shared>> -> memref<1000x128xf32, #tpu.memory_space<vmem_shared>>
    %dma_start3A_64 = tpu.memref_slice %arg8[%dma_start3A_53] : memref<4x!tpu.dma_semaphore, #tpu.memory_space<semaphore_mem>> -> memref<1x!tpu.dma_semaphore, #tpu.memory_space<semaphore_mem>>
    %dma_start3A_65 = tpu.memref_squeeze %dma_start3A_64 : memref<1x!tpu.dma_semaphore, #tpu.memory_space<semaphore_mem>> -> memref<!tpu.dma_semaphore, #tpu.memory_space<semaphore_mem>>
    tpu.enqueue_indirect_dma source(%dma_start3A_63 : memref<1000x128xf32, #tpu.memory_space<vmem_shared>>) target(%dma_start3A_57 : memref<128x128xf32, #tpu.memory_space<vmem>>) offsets(%dma_start3A_60 : memref<128xi32, #tpu.memory_space<vmem>>) semaphore(%dma_start3A_65 : memref<!tpu.dma_semaphore, #tpu.memory_space<semaphore_mem>>)
    %mul3A_66 = arith.constant 512 : i32
    %mul3A_67 = arith.muli %add3A, %mul3A_66 : i32
    %dma_wait3A = arith.constant 0 : i32
    %dma_wait3A_68 = arith.constant 0 : i32
    %dma_wait3A_69 = arith.constant 0 : i32
    %dma_wait3A_70 = arith.constant 0 : i32
    %dma_wait3A_71 = arith.constant 0 : i32
    %dma_wait3A_72 = tpu.memref_slice %arg6[%dma_wait3A_68, %dma_wait3A_70, %dma_wait3A_71] : memref<4x128x128xf32, #tpu.memory_space<vmem>> -> memref<1x128x128xf32, #tpu.memory_space<vmem>>
    %dma_wait3A_73 = tpu.memref_squeeze %dma_wait3A_72 : memref<1x128x128xf32, #tpu.memory_space<vmem>> -> memref<128x128xf32, #tpu.memory_space<vmem>>
    %dma_wait3A_74 = arith.constant 0 : i32
    %dma_wait3A_75 = tpu.memref_slice %arg5[%dma_wait3A, %dma_wait3A_74] : memref<4x128xi32, #tpu.memory_space<vmem>> -> memref<1x128xi32, #tpu.memory_space<vmem>>
    %dma_wait3A_76 = tpu.memref_squeeze %dma_wait3A_75 : memref<1x128xi32, #tpu.memory_space<vmem>> -> memref<128xi32, #tpu.memory_space<vmem>>
    %dma_wait3A_77 = arith.constant 0 : i32
    %dma_wait3A_78 = arith.constant 0 : i32
    %dma_wait3A_79 = tpu.memref_slice %arg7[%dma_wait3A_77, %dma_wait3A_78] : memref<1000x128xf32, #tpu.memory_space<vmem_shared>> -> memref<1000x128xf32, #tpu.memory_space<vmem_shared>>
    %dma_wait3A_80 = tpu.memref_slice %arg8[%dma_wait3A_69] : memref<4x!tpu.dma_semaphore, #tpu.memory_space<semaphore_mem>> -> memref<1x!tpu.dma_semaphore, #tpu.memory_space<semaphore_mem>>
    %dma_wait3A_81 = tpu.memref_squeeze %dma_wait3A_80 : memref<1x!tpu.dma_semaphore, #tpu.memory_space<semaphore_mem>> -> memref<!tpu.dma_semaphore, #tpu.memory_space<semaphore_mem>>
    tpu.wait_indirect_dma semaphore(%dma_wait3A_81 : memref<!tpu.dma_semaphore, #tpu.memory_space<semaphore_mem>>) src(%dma_wait3A_79 : memref<1000x128xf32, #tpu.memory_space<vmem_shared>>) dst(%dma_wait3A_73 : memref<128x128xf32, #tpu.memory_space<vmem>>)
    %add3A_82 = arith.constant 0 : i32
    %add3A_83 = arith.addi %mul3A_67, %add3A_82 : i32
    %dma_start3A_84 = arith.constant 0 : i32
    %dma_start3A_85 = arith.constant 0 : i32
    %dma_start3A_86 = arith.constant 0 : i32
    %dma_start3A_87 = tpu.memref_slice %arg6[%dma_start3A_84, %dma_start3A_85, %dma_start3A_86] : memref<4x128x128xf32, #tpu.memory_space<vmem>> -> memref<1x128x128xf32, #tpu.memory_space<vmem>>
    %dma_start3A_88 = tpu.memref_squeeze %dma_start3A_87 : memref<1x128x128xf32, #tpu.memory_space<vmem>> -> memref<128x128xf32, #tpu.memory_space<vmem>>
    %dma_start3A_89 = arith.constant 0 : i32
    %dma_start3A_90 = tpu.memref_slice %arg4[%add3A_83, %dma_start3A_89] : memref<16384x128xf32, #tpu.memory_space<hbm>> -> memref<128x128xf32, #tpu.memory_space<hbm>>
    %dma_start3A_91 = arith.constant 0 : i32
    %dma_start3A_92 = tpu.memref_slice %arg4[%add3A_83, %dma_start3A_91] : memref<16384x128xf32, #tpu.memory_space<hbm>> -> memref<128x128xf32, #tpu.memory_space<hbm>>
    %dma_start3A_93 = arith.constant 0 : i32
    %dma_start3A_94 = arith.constant 0 : i32
    %dma_start3A_95 = tpu.memref_slice %arg6[%dma_start3A_84, %dma_start3A_93, %dma_start3A_94] : memref<4x128x128xf32, #tpu.memory_space<vmem>> -> memref<1x128x128xf32, #tpu.memory_space<vmem>>
    %dma_start3A_96 = tpu.memref_squeeze %dma_start3A_95 : memref<1x128x128xf32, #tpu.memory_space<vmem>> -> memref<128x128xf32, #tpu.memory_space<vmem>>
    tpu.enqueue_dma source(%dma_start3A_96 : memref<128x128xf32, #tpu.memory_space<vmem>>) target(%dma_start3A_92 : memref<128x128xf32, #tpu.memory_space<hbm>>) target_semaphore(%arg9 : memref<!tpu.dma_semaphore, #tpu.memory_space<semaphore_mem>>)
    %dma_wait3A_97 = arith.constant 1 : i32
    %dma_wait3A_98 = arith.constant 1 : i32
    %dma_wait3A_99 = arith.constant 1 : i32
    %dma_wait3A_100 = arith.constant 0 : i32
    %dma_wait3A_101 = arith.constant 0 : i32
    %dma_wait3A_102 = tpu.memref_slice %arg6[%dma_wait3A_98, %dma_wait3A_100, %dma_wait3A_101] : memref<4x128x128xf32, #tpu.memory_space<vmem>> -> memref<1x128x128xf32, #tpu.memory_space<vmem>>
    %dma_wait3A_103 = tpu.memref_squeeze %dma_wait3A_102 : memref<1x128x128xf32, #tpu.memory_space<vmem>> -> memref<128x128xf32, #tpu.memory_space<vmem>>
    %dma_wait3A_104 = arith.constant 0 : i32
    %dma_wait3A_105 = tpu.memref_slice %arg5[%dma_wait3A_97, %dma_wait3A_104] : memref<4x128xi32, #tpu.memory_space<vmem>> -> memref<1x128xi32, #tpu.memory_space<vmem>>
    %dma_wait3A_106 = tpu.memref_squeeze %dma_wait3A_105 : memref<1x128xi32, #tpu.memory_space<vmem>> -> memref<128xi32, #tpu.memory_space<vmem>>
    %dma_wait3A_107 = arith.constant 0 : i32
    %dma_wait3A_108 = arith.constant 0 : i32
    %dma_wait3A_109 = tpu.memref_slice %arg7[%dma_wait3A_107, %dma_wait3A_108] : memref<1000x128xf32, #tpu.memory_space<vmem_shared>> -> memref<1000x128xf32, #tpu.memory_space<vmem_shared>>
    %dma_wait3A_110 = tpu.memref_slice %arg8[%dma_wait3A_99] : memref<4x!tpu.dma_semaphore, #tpu.memory_space<semaphore_mem>> -> memref<1x!tpu.dma_semaphore, #tpu.memory_space<semaphore_mem>>
    %dma_wait3A_111 = tpu.memref_squeeze %dma_wait3A_110 : memref<1x!tpu.dma_semaphore, #tpu.memory_space<semaphore_mem>> -> memref<!tpu.dma_semaphore, #tpu.memory_space<semaphore_mem>>
    tpu.wait_indirect_dma semaphore(%dma_wait3A_111 : memref<!tpu.dma_semaphore, #tpu.memory_space<semaphore_mem>>) src(%dma_wait3A_109 : memref<1000x128xf32, #tpu.memory_space<vmem_shared>>) dst(%dma_wait3A_103 : memref<128x128xf32, #tpu.memory_space<vmem>>)
    %add3A_112 = arith.constant 128 : i32
    %add3A_113 = arith.addi %mul3A_67, %add3A_112 : i32
    %dma_start3A_114 = arith.constant 1 : i32
    %dma_start3A_115 = arith.constant 0 : i32
    %dma_start3A_116 = arith.constant 0 : i32
    %dma_start3A_117 = tpu.memref_slice %arg6[%dma_start3A_114, %dma_start3A_115, %dma_start3A_116] : memref<4x128x128xf32, #tpu.memory_space<vmem>> -> memref<1x128x128xf32, #tpu.memory_space<vmem>>
    %dma_start3A_118 = tpu.memref_squeeze %dma_start3A_117 : memref<1x128x128xf32, #tpu.memory_space<vmem>> -> memref<128x128xf32, #tpu.memory_space<vmem>>
    %dma_start3A_119 = arith.constant 0 : i32
    %dma_start3A_120 = tpu.memref_slice %arg4[%add3A_113, %dma_start3A_119] : memref<16384x128xf32, #tpu.memory_space<hbm>> -> memref<128x128xf32, #tpu.memory_space<hbm>>
    %dma_start3A_121 = arith.constant 0 : i32
    %dma_start3A_122 = tpu.memref_slice %arg4[%add3A_113, %dma_start3A_121] : memref<16384x128xf32, #tpu.memory_space<hbm>> -> memref<128x128xf32, #tpu.memory_space<hbm>>
    %dma_start3A_123 = arith.constant 0 : i32
    %dma_start3A_124 = arith.constant 0 : i32
    %dma_start3A_125 = tpu.memref_slice %arg6[%dma_start3A_114, %dma_start3A_123, %dma_start3A_124] : memref<4x128x128xf32, #tpu.memory_space<vmem>> -> memref<1x128x128xf32, #tpu.memory_space<vmem>>
    %dma_start3A_126 = tpu.memref_squeeze %dma_start3A_125 : memref<1x128x128xf32, #tpu.memory_space<vmem>> -> memref<128x128xf32, #tpu.memory_space<vmem>>
    tpu.enqueue_dma source(%dma_start3A_126 : memref<128x128xf32, #tpu.memory_space<vmem>>) target(%dma_start3A_122 : memref<128x128xf32, #tpu.memory_space<hbm>>) target_semaphore(%arg9 : memref<!tpu.dma_semaphore, #tpu.memory_space<semaphore_mem>>)
    %dma_wait3A_127 = arith.constant 2 : i32
    %dma_wait3A_128 = arith.constant 2 : i32
    %dma_wait3A_129 = arith.constant 2 : i32
    %dma_wait3A_130 = arith.constant 0 : i32
    %dma_wait3A_131 = arith.constant 0 : i32
    %dma_wait3A_132 = tpu.memref_slice %arg6[%dma_wait3A_128, %dma_wait3A_130, %dma_wait3A_131] : memref<4x128x128xf32, #tpu.memory_space<vmem>> -> memref<1x128x128xf32, #tpu.memory_space<vmem>>
    %dma_wait3A_133 = tpu.memref_squeeze %dma_wait3A_132 : memref<1x128x128xf32, #tpu.memory_space<vmem>> -> memref<128x128xf32, #tpu.memory_space<vmem>>
    %dma_wait3A_134 = arith.constant 0 : i32
    %dma_wait3A_135 = tpu.memref_slice %arg5[%dma_wait3A_127, %dma_wait3A_134] : memref<4x128xi32, #tpu.memory_space<vmem>> -> memref<1x128xi32, #tpu.memory_space<vmem>>
    %dma_wait3A_136 = tpu.memref_squeeze %dma_wait3A_135 : memref<1x128xi32, #tpu.memory_space<vmem>> -> memref<128xi32, #tpu.memory_space<vmem>>
    %dma_wait3A_137 = arith.constant 0 : i32
    %dma_wait3A_138 = arith.constant 0 : i32
    %dma_wait3A_139 = tpu.memref_slice %arg7[%dma_wait3A_137, %dma_wait3A_138] : memref<1000x128xf32, #tpu.memory_space<vmem_shared>> -> memref<1000x128xf32, #tpu.memory_space<vmem_shared>>
    %dma_wait3A_140 = tpu.memref_slice %arg8[%dma_wait3A_129] : memref<4x!tpu.dma_semaphore, #tpu.memory_space<semaphore_mem>> -> memref<1x!tpu.dma_semaphore, #tpu.memory_space<semaphore_mem>>
    %dma_wait3A_141 = tpu.memref_squeeze %dma_wait3A_140 : memref<1x!tpu.dma_semaphore, #tpu.memory_space<semaphore_mem>> -> memref<!tpu.dma_semaphore, #tpu.memory_space<semaphore_mem>>
    tpu.wait_indirect_dma semaphore(%dma_wait3A_141 : memref<!tpu.dma_semaphore, #tpu.memory_space<semaphore_mem>>) src(%dma_wait3A_139 : memref<1000x128xf32, #tpu.memory_space<vmem_shared>>) dst(%dma_wait3A_133 : memref<128x128xf32, #tpu.memory_space<vmem>>)
    %add3A_142 = arith.constant 256 : i32
    %add3A_143 = arith.addi %mul3A_67, %add3A_142 : i32
    %dma_start3A_144 = arith.constant 2 : i32
    %dma_start3A_145 = arith.constant 0 : i32
    %dma_start3A_146 = arith.constant 0 : i32
    %dma_start3A_147 = tpu.memref_slice %arg6[%dma_start3A_144, %dma_start3A_145, %dma_start3A_146] : memref<4x128x128xf32, #tpu.memory_space<vmem>> -> memref<1x128x128xf32, #tpu.memory_space<vmem>>
    %dma_start3A_148 = tpu.memref_squeeze %dma_start3A_147 : memref<1x128x128xf32, #tpu.memory_space<vmem>> -> memref<128x128xf32, #tpu.memory_space<vmem>>
    %dma_start3A_149 = arith.constant 0 : i32
    %dma_start3A_150 = tpu.memref_slice %arg4[%add3A_143, %dma_start3A_149] : memref<16384x128xf32, #tpu.memory_space<hbm>> -> memref<128x128xf32, #tpu.memory_space<hbm>>
    %dma_start3A_151 = arith.constant 0 : i32
    %dma_start3A_152 = tpu.memref_slice %arg4[%add3A_143, %dma_start3A_151] : memref<16384x128xf32, #tpu.memory_space<hbm>> -> memref<128x128xf32, #tpu.memory_space<hbm>>
    %dma_start3A_153 = arith.constant 0 : i32
    %dma_start3A_154 = arith.constant 0 : i32
    %dma_start3A_155 = tpu.memref_slice %arg6[%dma_start3A_144, %dma_start3A_153, %dma_start3A_154] : memref<4x128x128xf32, #tpu.memory_space<vmem>> -> memref<1x128x128xf32, #tpu.memory_space<vmem>>
    %dma_start3A_156 = tpu.memref_squeeze %dma_start3A_155 : memref<1x128x128xf32, #tpu.memory_space<vmem>> -> memref<128x128xf32, #tpu.memory_space<vmem>>
    tpu.enqueue_dma source(%dma_start3A_156 : memref<128x128xf32, #tpu.memory_space<vmem>>) target(%dma_start3A_152 : memref<128x128xf32, #tpu.memory_space<hbm>>) target_semaphore(%arg9 : memref<!tpu.dma_semaphore, #tpu.memory_space<semaphore_mem>>)
    %dma_wait3A_157 = arith.constant 3 : i32
    %dma_wait3A_158 = arith.constant 3 : i32
    %dma_wait3A_159 = arith.constant 3 : i32
    %dma_wait3A_160 = arith.constant 0 : i32
    %dma_wait3A_161 = arith.constant 0 : i32
    %dma_wait3A_162 = tpu.memref_slice %arg6[%dma_wait3A_158, %dma_wait3A_160, %dma_wait3A_161] : memref<4x128x128xf32, #tpu.memory_space<vmem>> -> memref<1x128x128xf32, #tpu.memory_space<vmem>>
    %dma_wait3A_163 = tpu.memref_squeeze %dma_wait3A_162 : memref<1x128x128xf32, #tpu.memory_space<vmem>> -> memref<128x128xf32, #tpu.memory_space<vmem>>
    %dma_wait3A_164 = arith.constant 0 : i32
    %dma_wait3A_165 = tpu.memref_slice %arg5[%dma_wait3A_157, %dma_wait3A_164] : memref<4x128xi32, #tpu.memory_space<vmem>> -> memref<1x128xi32, #tpu.memory_space<vmem>>
    %dma_wait3A_166 = tpu.memref_squeeze %dma_wait3A_165 : memref<1x128xi32, #tpu.memory_space<vmem>> -> memref<128xi32, #tpu.memory_space<vmem>>
    %dma_wait3A_167 = arith.constant 0 : i32
    %dma_wait3A_168 = arith.constant 0 : i32
    %dma_wait3A_169 = tpu.memref_slice %arg7[%dma_wait3A_167, %dma_wait3A_168] : memref<1000x128xf32, #tpu.memory_space<vmem_shared>> -> memref<1000x128xf32, #tpu.memory_space<vmem_shared>>
    %dma_wait3A_170 = tpu.memref_slice %arg8[%dma_wait3A_159] : memref<4x!tpu.dma_semaphore, #tpu.memory_space<semaphore_mem>> -> memref<1x!tpu.dma_semaphore, #tpu.memory_space<semaphore_mem>>
    %dma_wait3A_171 = tpu.memref_squeeze %dma_wait3A_170 : memref<1x!tpu.dma_semaphore, #tpu.memory_space<semaphore_mem>> -> memref<!tpu.dma_semaphore, #tpu.memory_space<semaphore_mem>>
    tpu.wait_indirect_dma semaphore(%dma_wait3A_171 : memref<!tpu.dma_semaphore, #tpu.memory_space<semaphore_mem>>) src(%dma_wait3A_169 : memref<1000x128xf32, #tpu.memory_space<vmem_shared>>) dst(%dma_wait3A_163 : memref<128x128xf32, #tpu.memory_space<vmem>>)
    %add3A_172 = arith.constant 384 : i32
    %add3A_173 = arith.addi %mul3A_67, %add3A_172 : i32
    %dma_start3A_174 = arith.constant 3 : i32
    %dma_start3A_175 = arith.constant 0 : i32
    %dma_start3A_176 = arith.constant 0 : i32
    %dma_start3A_177 = tpu.memref_slice %arg6[%dma_start3A_174, %dma_start3A_175, %dma_start3A_176] : memref<4x128x128xf32, #tpu.memory_space<vmem>> -> memref<1x128x128xf32, #tpu.memory_space<vmem>>
    %dma_start3A_178 = tpu.memref_squeeze %dma_start3A_177 : memref<1x128x128xf32, #tpu.memory_space<vmem>> -> memref<128x128xf32, #tpu.memory_space<vmem>>
    %dma_start3A_179 = arith.constant 0 : i32
    %dma_start3A_180 = tpu.memref_slice %arg4[%add3A_173, %dma_start3A_179] : memref<16384x128xf32, #tpu.memory_space<hbm>> -> memref<128x128xf32, #tpu.memory_space<hbm>>
    %dma_start3A_181 = arith.constant 0 : i32
    %dma_start3A_182 = tpu.memref_slice %arg4[%add3A_173, %dma_start3A_181] : memref<16384x128xf32, #tpu.memory_space<hbm>> -> memref<128x128xf32, #tpu.memory_space<hbm>>
    %dma_start3A_183 = arith.constant 0 : i32
    %dma_start3A_184 = arith.constant 0 : i32
    %dma_start3A_185 = tpu.memref_slice %arg6[%dma_start3A_174, %dma_start3A_183, %dma_start3A_184] : memref<4x128x128xf32, #tpu.memory_space<vmem>> -> memref<1x128x128xf32, #tpu.memory_space<vmem>>
    %dma_start3A_186 = tpu.memref_squeeze %dma_start3A_185 : memref<1x128x128xf32, #tpu.memory_space<vmem>> -> memref<128x128xf32, #tpu.memory_space<vmem>>
    tpu.enqueue_dma source(%dma_start3A_186 : memref<128x128xf32, #tpu.memory_space<vmem>>) target(%dma_start3A_182 : memref<128x128xf32, #tpu.memory_space<hbm>>) target_semaphore(%arg9 : memref<!tpu.dma_semaphore, #tpu.memory_space<semaphore_mem>>)
    %dma_wait3A_187 = arith.constant 0 : i32
    %dma_wait3A_188 = arith.constant 0 : i32
    %dma_wait3A_189 = arith.constant 0 : i32
    %dma_wait3A_190 = tpu.memref_slice %arg6[%dma_wait3A_187, %dma_wait3A_188, %dma_wait3A_189] : memref<4x128x128xf32, #tpu.memory_space<vmem>> -> memref<1x128x128xf32, #tpu.memory_space<vmem>>
    %dma_wait3A_191 = tpu.memref_squeeze %dma_wait3A_190 : memref<1x128x128xf32, #tpu.memory_space<vmem>> -> memref<128x128xf32, #tpu.memory_space<vmem>>
    %dma_wait3A_192 = arith.constant 0 : i32
    %dma_wait3A_193 = tpu.memref_slice %arg4[%add3A_83, %dma_wait3A_192] : memref<16384x128xf32, #tpu.memory_space<hbm>> -> memref<128x128xf32, #tpu.memory_space<hbm>>
    %dma_wait3A_194 = arith.constant 0 : i32
    %dma_wait3A_195 = tpu.memref_slice %arg4[%add3A_83, %dma_wait3A_194] : memref<16384x128xf32, #tpu.memory_space<hbm>> -> memref<128x128xf32, #tpu.memory_space<hbm>>
    %dma_wait3A_196 = arith.constant 0 : i32
    %dma_wait3A_197 = arith.constant 0 : i32
    %dma_wait3A_198 = tpu.memref_slice %arg6[%dma_wait3A_187, %dma_wait3A_196, %dma_wait3A_197] : memref<4x128x128xf32, #tpu.memory_space<vmem>> -> memref<1x128x128xf32, #tpu.memory_space<vmem>>
    %dma_wait3A_199 = tpu.memref_squeeze %dma_wait3A_198 : memref<1x128x128xf32, #tpu.memory_space<vmem>> -> memref<128x128xf32, #tpu.memory_space<vmem>>
    tpu.wait_dma2 semaphore(%arg9 : memref<!tpu.dma_semaphore, #tpu.memory_space<semaphore_mem>>) src(%dma_wait3A_199 : memref<128x128xf32, #tpu.memory_space<vmem>>) dst(%dma_wait3A_195 : memref<128x128xf32, #tpu.memory_space<hbm>>)
    %dma_wait3A_200 = arith.constant 1 : i32
    %dma_wait3A_201 = arith.constant 0 : i32
    %dma_wait3A_202 = arith.constant 0 : i32
    %dma_wait3A_203 = tpu.memref_slice %arg6[%dma_wait3A_200, %dma_wait3A_201, %dma_wait3A_202] : memref<4x128x128xf32, #tpu.memory_space<vmem>> -> memref<1x128x128xf32, #tpu.memory_space<vmem>>
    %dma_wait3A_204 = tpu.memref_squeeze %dma_wait3A_203 : memref<1x128x128xf32, #tpu.memory_space<vmem>> -> memref<128x128xf32, #tpu.memory_space<vmem>>
    %dma_wait3A_205 = arith.constant 0 : i32
    %dma_wait3A_206 = tpu.memref_slice %arg4[%add3A_113, %dma_wait3A_205] : memref<16384x128xf32, #tpu.memory_space<hbm>> -> memref<128x128xf32, #tpu.memory_space<hbm>>
    %dma_wait3A_207 = arith.constant 0 : i32
    %dma_wait3A_208 = tpu.memref_slice %arg4[%add3A_113, %dma_wait3A_207] : memref<16384x128xf32, #tpu.memory_space<hbm>> -> memref<128x128xf32, #tpu.memory_space<hbm>>
    %dma_wait3A_209 = arith.constant 0 : i32
    %dma_wait3A_210 = arith.constant 0 : i32
    %dma_wait3A_211 = tpu.memref_slice %arg6[%dma_wait3A_200, %dma_wait3A_209, %dma_wait3A_210] : memref<4x128x128xf32, #tpu.memory_space<vmem>> -> memref<1x128x128xf32, #tpu.memory_space<vmem>>
    %dma_wait3A_212 = tpu.memref_squeeze %dma_wait3A_211 : memref<1x128x128xf32, #tpu.memory_space<vmem>> -> memref<128x128xf32, #tpu.memory_space<vmem>>
    tpu.wait_dma2 semaphore(%arg9 : memref<!tpu.dma_semaphore, #tpu.memory_space<semaphore_mem>>) src(%dma_wait3A_212 : memref<128x128xf32, #tpu.memory_space<vmem>>) dst(%dma_wait3A_208 : memref<128x128xf32, #tpu.memory_space<hbm>>)
    %dma_wait3A_213 = arith.constant 2 : i32
    %dma_wait3A_214 = arith.constant 0 : i32
    %dma_wait3A_215 = arith.constant 0 : i32
    %dma_wait3A_216 = tpu.memref_slice %arg6[%dma_wait3A_213, %dma_wait3A_214, %dma_wait3A_215] : memref<4x128x128xf32, #tpu.memory_space<vmem>> -> memref<1x128x128xf32, #tpu.memory_space<vmem>>
    %dma_wait3A_217 = tpu.memref_squeeze %dma_wait3A_216 : memref<1x128x128xf32, #tpu.memory_space<vmem>> -> memref<128x128xf32, #tpu.memory_space<vmem>>
    %dma_wait3A_218 = arith.constant 0 : i32
    %dma_wait3A_219 = tpu.memref_slice %arg4[%add3A_143, %dma_wait3A_218] : memref<16384x128xf32, #tpu.memory_space<hbm>> -> memref<128x128xf32, #tpu.memory_space<hbm>>
    %dma_wait3A_220 = arith.constant 0 : i32
    %dma_wait3A_221 = tpu.memref_slice %arg4[%add3A_143, %dma_wait3A_220] : memref<16384x128xf32, #tpu.memory_space<hbm>> -> memref<128x128xf32, #tpu.memory_space<hbm>>
    %dma_wait3A_222 = arith.constant 0 : i32
    %dma_wait3A_223 = arith.constant 0 : i32
    %dma_wait3A_224 = tpu.memref_slice %arg6[%dma_wait3A_213, %dma_wait3A_222, %dma_wait3A_223] : memref<4x128x128xf32, #tpu.memory_space<vmem>> -> memref<1x128x128xf32, #tpu.memory_space<vmem>>
    %dma_wait3A_225 = tpu.memref_squeeze %dma_wait3A_224 : memref<1x128x128xf32, #tpu.memory_space<vmem>> -> memref<128x128xf32, #tpu.memory_space<vmem>>
    tpu.wait_dma2 semaphore(%arg9 : memref<!tpu.dma_semaphore, #tpu.memory_space<semaphore_mem>>) src(%dma_wait3A_225 : memref<128x128xf32, #tpu.memory_space<vmem>>) dst(%dma_wait3A_221 : memref<128x128xf32, #tpu.memory_space<hbm>>)
    %dma_wait3A_226 = arith.constant 3 : i32
    %dma_wait3A_227 = arith.constant 0 : i32
    %dma_wait3A_228 = arith.constant 0 : i32
    %dma_wait3A_229 = tpu.memref_slice %arg6[%dma_wait3A_226, %dma_wait3A_227, %dma_wait3A_228] : memref<4x128x128xf32, #tpu.memory_space<vmem>> -> memref<1x128x128xf32, #tpu.memory_space<vmem>>
    %dma_wait3A_230 = tpu.memref_squeeze %dma_wait3A_229 : memref<1x128x128xf32, #tpu.memory_space<vmem>> -> memref<128x128xf32, #tpu.memory_space<vmem>>
    %dma_wait3A_231 = arith.constant 0 : i32
    %dma_wait3A_232 = tpu.memref_slice %arg4[%add3A_173, %dma_wait3A_231] : memref<16384x128xf32, #tpu.memory_space<hbm>> -> memref<128x128xf32, #tpu.memory_space<hbm>>
    %dma_wait3A_233 = arith.constant 0 : i32
    %dma_wait3A_234 = tpu.memref_slice %arg4[%add3A_173, %dma_wait3A_233] : memref<16384x128xf32, #tpu.memory_space<hbm>> -> memref<128x128xf32, #tpu.memory_space<hbm>>
    %dma_wait3A_235 = arith.constant 0 : i32
    %dma_wait3A_236 = arith.constant 0 : i32
    %dma_wait3A_237 = tpu.memref_slice %arg6[%dma_wait3A_226, %dma_wait3A_235, %dma_wait3A_236] : memref<4x128x128xf32, #tpu.memory_space<vmem>> -> memref<1x128x128xf32, #tpu.memory_space<vmem>>
    %dma_wait3A_238 = tpu.memref_squeeze %dma_wait3A_237 : memref<1x128x128xf32, #tpu.memory_space<vmem>> -> memref<128x128xf32, #tpu.memory_space<vmem>>
    tpu.wait_dma2 semaphore(%arg9 : memref<!tpu.dma_semaphore, #tpu.memory_space<semaphore_mem>>) src(%dma_wait3A_238 : memref<128x128xf32, #tpu.memory_space<vmem>>) dst(%dma_wait3A_234 : memref<128x128xf32, #tpu.memory_space<hbm>>)
    return
  }
}

</mosaic_0001>

<sc_bundles>
// kernel: kernel.3.cloned.1.call-start
scs
__scs_entry_jumppad:
0x0: {  	(pc) =	sbr.rel $0x88, $3  }
0x1: {  	(tag) =	ssettag $0x0;
	lr =	simm.s32 $0x1  }
0x2: {  	[smem:$0x3F9F] =	sst lr;
	_ =	strace $0xD0000000  }
0x3: {  	_ = 	snop  }
0x4: {  	_ = 	snop  }
0x5: {  	_ = 	snop  }
0x6: {  	_ = 	snop  }
0x7: {  	_ = 	snop  }
__scs_overlays_trampoline_lowered:
0x8: {  	[smem:$0x3FAE] =	sst s0  }
0x9: {  	[smem:$0x3FAF] =	sst s1  }
0xa: {  	[smem:$0x3FB0] =	sst s2  }
0xb: {  	[smem:$0x3FB1] =	sst s3  }
0xc: {  	[smem:$0x3FB2] =	sst s4  }
0xd: {  	[smem:$0x3FB3] =	sst s5  }
0xe: {  	[smem:$0x3FB4] =	sst s6  }
0xf: {  	[smem:$0x3FB5] =	sst s7  }
0x10: {  	[smem:$0x3FB6] =	sst s8  }
0x11: {  	[smem:$0x3FB7] =	sst s9;
	s0 =	simm.s32 @!p0 $0x0  }
0x12: {  	s1 =	sld [smem:$0x3F9D];
	s0 =	simm.s32 @p0 $0x1  }
0x13: {  	[smem:$0x3FB8] =	sst s0;
	s0 =	simm.s32 @!p1 $0x0  }
0x14: {  	s2 =	sld [smem:$0x3F9C];
	s0 =	simm.s32 @p1 $0x1  }
0x15: {  	[smem:$0x3FB9] =	sst s0;
	s0 =	simm.s32 @!p2 $0x0  }
0x16: {  	s3 =	sld [smem:$0x3FDB];
	s0 =	simm.s32 @p2 $0x1  }
0x17: {  	s4 =	simm.s32 $0x1BF5;
	[smem:$0x3FBB] =	sst s0  }
0x18: {  	s0 =	sld [smem:$0x3F9E];
	_ =	swait.ge [sflag:s4], $0x0  }
0x19: {  	s7 =	sld [smem:$0x3F9F]  }
0x1a: {  	s8 =	sadd.s32 $0xFFFFE003, lr  }
0x1b: {  	s9 =	sadd.s32 $0xFFFFFEF7, lr;
	s5 =	simm.s32 $0xFFFFFFFF;
	p2 =	slt.u32 s8, $0xFFFFF086  }
0x1c: {  	p1 =	slt.u32 s9, $0xF7A;
	s5 =	simm.s32 @!p2 $0x0  }
0x1d: {  	s5 =	simm.s32 @p1 $0x1;
	p0 =	seq.s32 s7, s2  }
0x1e: {  	s7 =	smul.u32 @!p0 $0xF7A, s2;
	p2 =	seq.s32 @!p0 s5, $0x0  }
0x1f: {  	s9 =	smul.u32 $0xF7A, s1;
	s8 =	simm.s32 @!p0 $0x1BF5;
	p2 =	por !p2, p0  }
0x20: {  	[sflag:s8] =	ssyncset.s32 @!p0 $0xFFFFF086;
	s6 =	sadd.s32 @!p0 s3, s7;
	s7 =	simm.s32 @!p0 $0x108  }
0x21: {  	s3 =	sadd.s32 s3, s9;
	s6 =	sadd.s32 @!p0 $0x88, s6;
	s7 =	simm.s32 @p2 $0x1082  }
0x22: {  	[simem:s7], [sflag:s8] =	dma.local @!p0 [hbm:s6], $0xF7A  }
0x23: {  	s9 =	sor.u32 $0xD0000000, s2;
	s6 =	simm.s32 $0x108;
	_ =	swait.ge @!p0 [sflag:s8], $0x0  }
0x24: {  	s3 =	sadd.s32 $0x88, s3;
	s6 =	simm.s32 @!p1 $0x1082;
	[sflag:s4] =	ssyncset.s32 $0xFFFFF086  }
0x25: {  	[simem:s6], [sflag:s4] =	dma.local [hbm:s3], $0xF7A  }
0x26: {  	[smem:$0x3F9F] =	sst s1;
	(tag) =	ssettag s2;
	_ =	strace s9  }
0x27: {  	s1 =	sld [smem:$0x3FAF]  }
0x28: {  	s2 =	sld [smem:$0x3FB0]  }
0x29: {  	s4 =	sld [smem:$0x3FB2]  }
0x2a: {  	p0 =	seq.s32 s5, $0x0;
	s5 =	sld [smem:$0x3FB3]  }
0x2b: {  	s6 =	sld [smem:$0x3FB4]  }
0x2c: {  	s7 =	sld [smem:$0x3FB5]  }
0x2d: {  	s3 =	simm.s32 $0x108;
	s8 =	sld [smem:$0x3FB6]  }
0x2e: {  	s3 =	simm.s32 @!p0 $0x1082;
	s9 =	sld [smem:$0x3FB7]  }
0x2f: {  	lr =	sadd.s32 s0, s3;
	s0 =	sld [smem:$0x3FAE]  }
0x30: {  	s3 =	sld [smem:$0x3FB1]  }
0x31: {  	[smem:$0x3FBA] =	sst s10  }
0x32: {  	s10 =	sld [smem:$0x3FB8];
	_ =	sdelay $0x3  }
0x33: {  	p0 =	seq.s32 s10, $0x1;
	s10 =	sld [smem:$0x3FBA];
	_ =	sdelay $0x3  }
0x34: {  	[smem:$0x3FBA] =	sst s10  }
0x35: {  	s10 =	sld [smem:$0x3FB9];
	_ =	sdelay $0x3  }
0x36: {  	p1 =	seq.s32 s10, $0x1;
	s10 =	sld [smem:$0x3FBA];
	_ =	sdelay $0x3  }
0x37: {  	[smem:$0x3FBA] =	sst s10  }
0x38: {  	s10 =	sld [smem:$0x3FBB]  }
0x39: {  	_ = 	snop;
	(pc) =	sbr.ind lr, $3  }
0x3a: {  	_ = 	snop  }
0x3b: {  	_ = 	snop  }
0x3c: {  	p2 =	seq.s32 s10, $0x1;
	s10 =	sld [smem:$0x3FBA]  }
0x3d: {  	_ =	shalt  }
0x3e: {  	_ =	shalt  }
0x3f: {  	_ =	shalt  }
0x40: {  	_ =	shalt  }
0x41: {  	_ =	shalt  }
0x42: {  	_ =	shalt  }
0x43: {  	_ =	shalt  }
0x44: {  	_ =	shalt  }
0x45: {  	_ =	shalt  }
0x46: {  	_ =	shalt  }
0x47: {  	_ =	shalt  }
0x48: {  	_ =	shalt  }
0x49: {  	_ =	shalt  }
0x4a: {  	_ =	shalt  }
0x4b: {  	_ =	shalt  }
0x4c: {  	_ =	shalt  }
0x4d: {  	_ =	shalt  }
0x4e: {  	_ =	shalt  }
0x4f: {  	_ =	shalt  }
0x50: {  	_ =	shalt  }
0x51: {  	_ =	shalt  }
0x52: {  	_ =	shalt  }
0x53: {  	_ =	shalt  }
0x54: {  	_ =	shalt  }
0x55: {  	_ =	shalt  }
0x56: {  	_ =	shalt  }
0x57: {  	_ =	shalt  }
0x58: {  	_ =	shalt  }
0x59: {  	_ =	shalt  }
0x5a: {  	_ =	shalt  }
0x5b: {  	_ =	shalt  }
0x5c: {  	_ =	shalt  }
0x5d: {  	_ =	shalt  }
0x5e: {  	_ =	shalt  }
0x5f: {  	_ =	shalt  }
0x60: {  	_ =	shalt  }
0x61: {  	_ =	shalt  }
0x62: {  	_ =	shalt  }
0x63: {  	_ =	shalt  }
0x64: {  	_ =	shalt  }
0x65: {  	_ =	shalt  }
0x66: {  	_ =	shalt  }
0x67: {  	_ =	shalt  }
0x68: {  	_ =	shalt  }
0x69: {  	_ =	shalt  }
0x6a: {  	_ =	shalt  }
0x6b: {  	_ =	shalt  }
0x6c: {  	_ =	shalt  }
0x6d: {  	_ =	shalt  }
0x6e: {  	_ =	shalt  }
0x6f: {  	_ =	shalt  }
0x70: {  	_ =	shalt  }
0x71: {  	_ =	shalt  }
0x72: {  	_ =	shalt  }
0x73: {  	_ =	shalt  }
0x74: {  	_ =	shalt  }
0x75: {  	_ =	shalt  }
0x76: {  	_ =	shalt  }
0x77: {  	_ =	shalt  }
0x78: {  	_ =	shalt  }
0x79: {  	_ =	shalt  }
0x7a: {  	_ =	shalt  }
0x7b: {  	_ =	shalt  }
0x7c: {  	_ =	shalt  }
0x7d: {  	_ =	shalt  }
0x7e: {  	_ =	shalt  }
0x7f: {  	_ =	shalt  }
0x80: {  	_ =	shalt  }
0x81: {  	_ =	shalt  }
0x82: {  	_ =	shalt  }
0x83: {  	_ =	shalt  }
0x84: {  	_ =	shalt  }
0x85: {  	_ =	shalt  }
0x86: {  	_ =	shalt  }
0x87: {  	_ =	shalt  }
.Lfunc_end0:
.L_simem_size_0:
called_computation_lowered:
.L_overlay_start_0:
0x88: {  	s2 =	sld [smem:$0x3FD9]  }
0x89: {  	s3 =	sld [smem:$0x3FFE];
	_ =	sdelay $0x1  }
0x8a: {  	s1 =	srdreg.scid  }
0x8b: {  	s0 =	sand.u32 $0x1, s1  }
0x8c: {  	s18 =	sshll.u32 s0, $0xA;
	s2 =	sadd.s32 s3, s2  }
0x8d: {  	s2 =	sadd.s32 s2, s18  }
0x8e: {  	[smem:$0x3FC6] =	sst s2  }
0x8f: {  	_ = 	snop  }
0x90: {  	s2 =	sld [smem:$0x3FC9]  }
0x91: {  	s19 =	sld [smem:$0x3FC8]  }
0x92: {  	s4 =	sld [smem:$0x3FD0];
	(tm) =	ssettm $0x1  }
0x93: {  	s5 =	sld [smem:$0x3FFB];
	_ =	sdelay $0x3  }
0x94: {  	_ =	strace s5  }
0x95: {  	s5 =	sld [smem:$0x3FFC];
	_ =	sdelay $0x3  }
0x96: {  	_ =	strace s5  }
0x97: {  	s5 =	sld [smem:$0x3FFD];
	_ =	sdelay $0x3  }
0x98: {  	_ =	strace s5  }
0x99: {  	_ =	strace $0x8FFFFFFF  }
0x9a: {  	s20 =	sld [smem:$0x3FDB];
	_ =	sdelay $0x1  }
0x9b: {  	s6 =	simm.s32 $_scs_section_size  }
0x9c: {  	s7 =	simm.s32 $_size__tile_overlayer_lowered;
	s8 =	simm.s32 $_tile_overlayer_lowered  }
0x9d: {  	s23 =	simm.s32 $0x1BFF;
	s22 =	sshll.u32 s8, $0x1;
	s5 =	sadd.s32 s6, s20  }
0x9e: {  	s9 =	simm.s32 $0x0;
	s21 =	sshll.u32 s7, $0x1;
	s7 =	sadd.s32 s22, s5  }
0x9f: {  	[timem:s9], [sflag:s23] =	dma.local [hbm:s7], s21  }
0xa0: {  	_ =	swait.ge [sflag:s23], s21  }
0xa1: {  	s6 =	ssub.s32 $0x0, s21;
	[sflag:s23] =	ssyncset.done $0x0  }
0xa2: {  	[sflag:s23] =	ssyncadd.s32 s6;
	_ =	sdelay $0x1  }
0xa3: {  	s24 =	simm.s32 $0x1B8B  }
0xa4: {  	_ =	swait.ge [sflag:s24], $0x1  }
0xa5: {  	[sflag:s24] =	ssyncset.done $0x0  }
0xa6: {  	s25 =	simm.s32 $0x1B8E;
	[sflag:s24] =	ssyncadd.s32 $0xFFFFFFFF  }
0xa7: {  	s26 =	simm.s32 $execute0_lowered;
	[smem:$0x3FD2] =	sst s25  }
0xa8: {  	s6 =	sshll.u32 s26, $0x1;
	_ =	strace $0x80000046;
	[dreg:$0x1] =	wrdreg $0xFFFFFFFF  }
0xa9: {  	s28 =	simm.s32 $_size_execute0_lowered;
	s5 =	sadd.s32 s5, s6;
	[dreg:$0x0] =	wrdreg $0x0  }
0xaa: {  	s6 =	sshll.u32 s28, $0x1;
	[dreg:$0x2] =	wrdreg s5  }
0xab: {  	[dreg:$0x3] =	wrdreg s6  }
0xac: {  	[dreg:$0x4] =	wrdreg $0xC0  }
0xad: {  	_ =	task [dreg:s9], $0x5FFFF  }
0xae: {  	[dreg:$0x1] =	wrdreg $0xFFFFFFFF  }
0xaf: {  	[dreg:$0x0] =	wrdreg $0x60  }
0xb0: {  	[dreg:$0x2] =	wrdreg s2  }
0xb1: {  	[dreg:$0x3] =	wrdreg s19  }
0xb2: {  	[dreg:$0x4] =	wrdreg s4  }
0xb3: {  	[dreg:$0x5] =	wrdreg $0x102000  }
0xb4: {  	[dreg:$0x6] =	wrdreg $0x9  }
0xb5: {  	_ =	task.clear_ibuf [dreg:s9], $0x7FFFF;
	_ =	strace $0x90000046  }
0xb6: {  	s29 =	simm.s32 $0x9;
	_ =	strace $0x80000048  }
0xb7: {  	_ =	swait.ge [sflag:s29], $0x1  }
0xb8: {  	[sflag:s29] =	ssyncadd.s32 $0xFFFFFFFF  }
0xb9: {  	_ =	strace $0x90000048  }
0xba: {  	_ =	sfence  }
0xbb: {  	s30 =	sld [smem:$0x0];
	_ =	sdelay $0x2  }
0xbc: {  	s31 =	sshll.u32 s1, $0xD;
	s1 =	sshrl.u32 s1, $0x2  }
0xbd: {  	s3 =	sand.u32 $0x4000, s31;
	s1 =	sadd.s32 s1, s30  }
0xbe: {  	s0 =	sor.u32 s3, s0;
	s1 =	sshll.u32 s1, $0x11  }
0xbf: {  	s0 =	sor.u32 s1, s0  }
0xc0: {  	s0 =	sadd.s32 $0x8F2B, s0  }
0xc1: {  	[sflag:s0] =	ssyncadd.remote.s32 $0x1  }
0xc2: {  	_ =	sfence.sel $0xFFFF  }
0xc3: {  	[dreg:$0x0] =	wrdreg $0xFFFFFFFF;
	(pc) =	sbr.abs _section_cstart, $3  }
0xc4: {  	[dreg:$0x1] =	wrdreg $0xFFFFFFFF  }
0xc5: {  	_ =	task.clear_ibuf [dreg:s9], $0x2FFFF;
	_ =	strace $0x9FFFFFFF  }
0xc6: {  	(tm) =	ssettm $0x7FFFFFFF  }
0xc7: {  	_ =	shalt  }
tec
execute0_lowered:
.L_overlay_start_1:
0x0: {  	(tag) =	ssettag $0x1  }
0x1: {  	s4 =	rddreg [dreg:$0x0];
	s3 =	srdreg.scid  }
0x2: {  	s10 =	rddreg [dreg:$0x1];
	s1 =	stileid.u32;
	s31 =	sand.u32 $0x1, s3  }
0x3: {  	s22 =	rddreg [dreg:$0x2];
	s11 =	sshll.u32 s1, $0xA;
	s5 =	sshll.u32 s31, $0x9  }
0x4: {  	s2 =	rddreg [dreg:$0x3];
	s3 =	simm.s32 $0x0;
	s23 =	sor.u32 s5, s11  }
0x5: {  	s12 =	sshll.u32 s1, $0xD;
	[smem:$0x7FF] =	sst s3;
	s5 =	sshrl.u32 s23, $0x3  }
0x6: {  	_ =	strace $0x80000047;
	s4 =	sadd.s32 s4, s5;
	s5 =	simm.s32 $0x6  }
0x7: {  	[tilespmem:s3], [sflag:$0x6] =	stream.linear.gather [hbm4b:s4+s3], $0x200, $0x38;
	[tilespmem:$0x12140] =	vst v63  }
0x8: {  	s7 =	sadd.s32 $0x1E000, s2;
	p0 =	seq.s32 s1, $0xF;
	_ =	swait.ge [sflag:s5], $0x200  }
0x9: {  	s6 =	sadd.s32 $0x3C00, s10;
	s7 =	sshrl.u32 @p0 s7, $0x3;
	[sflag:s5] =	ssyncset.done $0x0  }
0xa: {  	s8 =	simm.s32 @p0 $0x1FC6;
	s9 =	simm.s32 @p0 $0x6;
	[sflag:s5] =	ssyncadd.s32 $0xFFFFFE00  }
0xb: {  	[spmem:s7], [sflag:s8] =	dma.local @p0 [hbm:s6], $0x280  }
0xc: {  	s12 =	sadd.s32 s12, s2;
	s13 =	sshll.u32 @!p0 s1, $0x6;
	_ =	swait.ge @p0 [sflag:s9], $0x280  }
0xd: {  	s10 =	sadd.s32 s10, s11;
	s11 =	sor.u32 @!p0 $0x1C06, s13;
	[sflag:s9] =	ssyncset.done @p0 $0x0  }
0xe: {  	s12 =	sshrl.u32 @!p0 s12, $0x3;
	s13 =	simm.s32 @!p0 $0x6;
	[sflag:s9] =	ssyncadd.s32 @p0 $0xFFFFFD80  }
0xf: {  	[spmem:s12], [sflag:s11] =	dma.local @!p0 [hbm:s10], $0x400  }
0x10: {  	_ =	swait.ge @!p0 [sflag:s13], $0x400  }
0x11: {  	[sflag:s13] =	ssyncset.done @!p0 $0x0  }
0x12: {  	[sflag:s13] =	ssyncadd.s32 @!p0 $0xFFFFFC00  }
0x13: {  	s14 =	simm.s32 $0x80;
	s15 =	simm.s32 $0x200;
	[bflag:$0x0] =	sbarrier.arrive $0xFFFF  }
0x14: {  	[tilespmem:s15], [sflag:$0x1] =	stream.indirect.gather [spmem:s2], $0x80, s3, s14, $0xb8;
	[tilespmem:$0x12140] =	vst v63  }
0x15: {  	s16 =	simm.s32 $0x4200  }
0x16: {  	[tilespmem:s16], [sflag:$0x2] =	stream.indirect.gather [spmem:s2], $0x80, s14, s14, $0xb8;
	[tilespmem:$0x12140] =	vst v63  }
0x17: {  	s17 =	simm.s32 $0x100;
	s18 =	simm.s32 $0x8200  }
0x18: {  	[tilespmem:s18], [sflag:$0x3] =	stream.indirect.gather [spmem:s2], $0x80, s17, s14, $0xb8;
	[tilespmem:$0x12140] =	vst v63  }
0x19: {  	s19 =	simm.s32 $0x180;
	s20 =	simm.s32 $0xC200;
	s21 =	simm.s32 $0x1  }
0x1a: {  	[tilespmem:s20], [sflag:$0x4] =	stream.indirect.gather [spmem:s2], $0x80, s19, s14, $0xb8;
	[tilespmem:$0x12140] =	vst v63  }
0x1b: {  	_ =	swait.ge [sflag:s21], $0x4000  }
0x1c: {  	s23 =	sshll.u32 s23, $0x4;
	[sflag:s21] =	ssyncset.done $0x0  }
0x1d: {  	s22 =	sadd.s32 s22, s23;
	s23 =	simm.s32 $0x2;
	[sflag:s21] =	ssyncadd.s32 $0xFFFFC000  }
0x1e: {  	[hbm4b:s22+s3] =	stream.linear.scatter [tilespmem:s15], [sflag:$0x5], $0x4000, $0x38;
	[tilespmem:$0x12140] =	vst v63  }
0x1f: {  	_ =	swait.ge [sflag:s23], $0x4000  }
0x20: {  	[sflag:s23] =	ssyncset.done $0x0  }
0x21: {  	s25 =	simm.s32 $0x3;
	s24 =	sadd.s32 $0x800, s22;
	[sflag:s23] =	ssyncadd.s32 $0xFFFFC000  }
0x22: {  	[hbm4b:s24+s3] =	stream.linear.scatter [tilespmem:s16], [sflag:$0x5], $0x4000, $0x38;
	[tilespmem:$0x12140] =	vst v63  }
0x23: {  	_ =	swait.ge [sflag:s25], $0x4000  }
0x24: {  	[sflag:s25] =	ssyncset.done $0x0  }
0x25: {  	s28 =	simm.s32 $0x4;
	s26 =	sadd.s32 $0x1000, s22;
	[sflag:s25] =	ssyncadd.s32 $0xFFFFC000  }
0x26: {  	[hbm4b:s26+s3] =	stream.linear.scatter [tilespmem:s18], [sflag:$0x5], $0x4000, $0x38;
	[tilespmem:$0x12140] =	vst v63  }
0x27: {  	_ =	swait.ge [sflag:s28], $0x4000  }
0x28: {  	[sflag:s28] =	ssyncset.done $0x0  }
0x29: {  	s30 =	simm.s32 $0x5;
	s29 =	sadd.s32 $0x1800, s22;
	[sflag:s28] =	ssyncadd.s32 $0xFFFFC000  }
0x2a: {  	[hbm4b:s29+s3] =	stream.linear.scatter [tilespmem:s20], [sflag:$0x5], $0x4000, $0x38;
	[tilespmem:$0x12140] =	vst v63  }
0x2b: {  	s31 =	ssub.s32 $0x2, s31;
	_ =	swait.ge [sflag:s30], $0x4000  }
0x2c: {  	s0 =	sshrl.u32 s31, $0x1;
	[sflag:s30] =	ssyncset.done $0x0  }
0x2d: {  	s0 =	ssub.s32 s31, s0;
	[sflag:s30] =	ssyncadd.s32 $0xFFFFC000  }
0x2e: {  	s0 =	smax.u32 s0, $0x1;
	_ =	swait.ge [sflag:s30], $0x4000  }
0x2f: {  	s31 =	sadd.s32 $0xFFFFFFFF, s0;
	[sflag:s30] =	ssyncset.done $0x0  }
0x30: {  	p1 =	sne.s32 s31, $0x0;
	[sflag:s30] =	ssyncadd.s32 $0xFFFFC000  }
.Ltmp0:
0x31: {  	_ =	swait.ge [sflag:s30], $0x4000;
	(pc) =	sbr.rel @!p1 .LBB2_2-.Ltmp0, $4  }
0x32: {  	[sflag:s30] =	ssyncset.done $0x0  }
0x33: {  	[sflag:s30] =	ssyncadd.s32 $0xFFFFC000  }
0x34: {  	_ =	swait.ge [sflag:s30], $0x4000  }
0x35: {  	[sflag:s30] =	ssyncset.done $0x0  }
.LBB2_1:
0x36: {  	s31 =	sadd.s32 $0xFFFFFFFF, s31;
	[sflag:s30] =	ssyncadd.s32 $0xFFFFC000  }
0x37: {  	[tilespmem:s3], [sflag:$0x6] =	stream.linear.gather [hbm4b:s4+s3], $0x200, $0x38;
	[tilespmem:$0x12140] =	vst v63  }
0x38: {  	p1 =	sne.s32 s31, $0x0;
	_ =	swait.ge [sflag:s5], $0x200  }
0x39: {  	[sflag:s5] =	ssyncset.done $0x0  }
0x3a: {  	[sflag:s5] =	ssyncadd.s32 $0xFFFFFE00  }
0x3b: {  	[spmem:s7], [sflag:s8] =	dma.local @p0 [hbm:s6], $0x280  }
0x3c: {  	_ =	swait.ge @p0 [sflag:s9], $0x280  }
0x3d: {  	[sflag:s9] =	ssyncset.done @p0 $0x0  }
0x3e: {  	[sflag:s9] =	ssyncadd.s32 @p0 $0xFFFFFD80  }
0x3f: {  	[spmem:s12], [sflag:s11] =	dma.local @!p0 [hbm:s10], $0x400  }
0x40: {  	_ =	swait.ge @!p0 [sflag:s13], $0x400  }
0x41: {  	[sflag:s13] =	ssyncset.done @!p0 $0x0  }
0x42: {  	[sflag:s13] =	ssyncadd.s32 @!p0 $0xFFFFFC00  }
0x43: {  	[bflag:$0x0] =	sbarrier.arrive $0xFFFF  }
0x44: {  	[tilespmem:s15], [sflag:$0x1] =	stream.indirect.gather [spmem:s2], $0x80, s3, s14, $0xb8;
	[tilespmem:$0x12140] =	vst v63  }
0x45: {  	_ = 	snop  }
0x46: {  	[tilespmem:s16], [sflag:$0x2] =	stream.indirect.gather [spmem:s2], $0x80, s14, s14, $0xb8;
	[tilespmem:$0x12140] =	vst v63  }
0x47: {  	_ = 	snop  }
0x48: {  	[tilespmem:s18], [sflag:$0x3] =	stream.indirect.gather [spmem:s2], $0x80, s17, s14, $0xb8;
	[tilespmem:$0x12140] =	vst v63  }
0x49: {  	_ = 	snop  }
0x4a: {  	[tilespmem:s20], [sflag:$0x4] =	stream.indirect.gather [spmem:s2], $0x80, s19, s14, $0xb8;
	[tilespmem:$0x12140] =	vst v63  }
0x4b: {  	_ =	swait.ge [sflag:s21], $0x4000  }
0x4c: {  	[sflag:s21] =	ssyncset.done $0x0  }
0x4d: {  	[sflag:s21] =	ssyncadd.s32 $0xFFFFC000  }
0x4e: {  	[hbm4b:s22+s3] =	stream.linear.scatter [tilespmem:s15], [sflag:$0x5], $0x4000, $0x38;
	[tilespmem:$0x12140] =	vst v63  }
0x4f: {  	_ =	swait.ge [sflag:s23], $0x4000  }
0x50: {  	[sflag:s23] =	ssyncset.done $0x0  }
0x51: {  	[sflag:s23] =	ssyncadd.s32 $0xFFFFC000  }
0x52: {  	[hbm4b:s24+s3] =	stream.linear.scatter [tilespmem:s16], [sflag:$0x5], $0x4000, $0x38;
	[tilespmem:$0x12140] =	vst v63  }
0x53: {  	_ =	swait.ge [sflag:s25], $0x4000  }
0x54: {  	[sflag:s25] =	ssyncset.done $0x0  }
0x55: {  	[sflag:s25] =	ssyncadd.s32 $0xFFFFC000  }
0x56: {  	[hbm4b:s26+s3] =	stream.linear.scatter [tilespmem:s18], [sflag:$0x5], $0x4000, $0x38;
	[tilespmem:$0x12140] =	vst v63  }
0x57: {  	_ =	swait.ge [sflag:s28], $0x4000  }
0x58: {  	[sflag:s28] =	ssyncset.done $0x0  }
0x59: {  	[sflag:s28] =	ssyncadd.s32 $0xFFFFC000  }
0x5a: {  	[hbm4b:s29+s3] =	stream.linear.scatter [tilespmem:s20], [sflag:$0x5], $0x4000, $0x38;
	[tilespmem:$0x12140] =	vst v63  }
0x5b: {  	_ =	swait.ge [sflag:s30], $0x4000  }
0x5c: {  	[sflag:s30] =	ssyncset.done $0x0  }
0x5d: {  	[sflag:s30] =	ssyncadd.s32 $0xFFFFC000  }
0x5e: {  	_ =	swait.ge [sflag:s30], $0x4000  }
0x5f: {  	[sflag:s30] =	ssyncset.done $0x0  }
0x60: {  	[sflag:s30] =	ssyncadd.s32 $0xFFFFC000  }
.Ltmp1:
0x61: {  	_ =	swait.ge [sflag:s30], $0x4000;
	(pc) =	sbr.rel @p1 .LBB2_1-.Ltmp1, $4  }
0x62: {  	[sflag:s30] =	ssyncset.done $0x0  }
0x63: {  	[sflag:s30] =	ssyncadd.s32 $0xFFFFC000  }
0x64: {  	_ =	swait.ge [sflag:s30], $0x4000  }
0x65: {  	[sflag:s30] =	ssyncset.done $0x0  }
.LBB2_2:
0x66: {  	[sflag:s30] =	ssyncadd.s32 $0xFFFFC000  }
0x67: {  	_ =	sfence.sel $0x180000  }
0x68: {  	[bflag:$0x0] =	sbarrier.arrive $0xFFFF  }
0x69: {  	_ =	strace $0x90000047  }
0x6a: {  	[bflag:$0x2] =	sbarrier.arrive $0xFFFF  }
0x6b: {  	p0 =	sne.s32 s1, $0x0;
	s0 =	rddreg [dreg:$0x4]  }
0x6c: {  	s0 =	sadd.s32 @!p0 $0x100000, s0  }
0x6d: {  	[sflag:s0] =	ssyncadd.tile.s32 @!p0 $0x1;
	_ =	shalt  }
.Lfunc_end2:
_tile_overlayer_lowered:
.L_overlay_start_2:
0x6e: {  	(tag) =	ssettag $0x2  }
0x6f: {  	s0 =	rddreg [dreg:$0x0];
	s2 =	stileid.u32  }
0x70: {  	s1 =	rddreg [dreg:$0x1];
	p0 =	sne.s32 s2, $0x0  }
0x71: {  	s3 =	rddreg [dreg:$0x2];
	[bflag:$0x3] =	sbarrier.arrive $0xFFFF;
	s2 =	simm.s32 @!p0 $0x1C06  }
0x72: {  	[timem:s3], [sflag:s2] =	dma.local @!p0 [hbm:s0], s1  }
0x73: {  	s0 =	simm.s32 @!p0 $0x6  }
0x74: {  	_ =	swait.ge @!p0 [sflag:s0], s1  }
0x75: {  	s1 =	ssub.s32 @!p0 $0x0, s1;
	[sflag:s0] =	ssyncset.done @!p0 $0x0  }
0x76: {  	[sflag:s0] =	ssyncadd.s32 @!p0 s1  }
0x77: {  	[bflag:$0x3] =	sbarrier.arrive $0xFFFF  }
0x78: {  	_ =	shalt  }

</sc_bundles>
